<compile_context>
chip_gen: v7x
topology: tpu7x:2x2x1
jax: 0.10.2.dev20260603
libtpu: 0.0.44.dev20260713+nightly
codegen_flags: <defaults>
</compile_context>

<pallas_src>
import functools

import jax
import jax.numpy as jnp
from jax import lax
from jax.experimental import pallas as pl
from jax.experimental.pallas import tpu as pltpu
from jax.experimental.pallas import tpu_sc as plsc

N_TOK = 16384
N_EMB = 8192
DIM = 32
TILE = 256
GRID = N_TOK // TILE
COMMITMENT = 0.5


CHUNK = 4096
N_CHUNKS = N_EMB // CHUNK


def _argmin_body(xb2_ref, sx2_ref, se2_ref, emb_ref, idx_ref):
    xw = xb2_ref[...].astype(jnp.float32)
    sx2 = sx2_ref[...]
    acc = jnp.full((TILE, 1), jnp.inf, jnp.float32)
    idx = jnp.zeros((TILE, 1), jnp.int32)
    iota = lax.broadcasted_iota(jnp.int32, (TILE, CHUNK), 1)
    for c in range(N_CHUNKS):
        e_c = emb_ref[c * CHUNK:(c + 1) * CHUNK, :]
        se2_c = se2_ref[:, c * CHUNK:(c + 1) * CHUNK]
        mm = lax.dot_general(xw, e_c, (((1,), (1,)), ((), ())),
                             preferred_element_type=jnp.float32,
                             precision=lax.Precision.DEFAULT)
        d = (sx2 + se2_c) - 2.0 * mm
        m = jnp.min(d, axis=1, keepdims=True)
        im = jnp.min(jnp.where(d == m, iota, 1 << 30), axis=1,
                     keepdims=True) + c * CHUNK
        take = m < acc
        idx = jnp.where(take, im, idx)
        acc = jnp.where(take, m.astype(jnp.bfloat16).astype(jnp.float32), acc)
    idx_ref[...] = idx


def _nearest_code_indices(xb, sx2, se2, embedding):
    return pl.pallas_call(
        _argmin_body,
        grid=(GRID,),
        in_specs=[
            pl.BlockSpec((TILE, DIM), lambda i: (i, 0)),
            pl.BlockSpec((TILE, 1), lambda i: (i, 0)),
            pl.BlockSpec((1, N_EMB), lambda i: (0, 0)),
            pl.BlockSpec((N_EMB, DIM), lambda i: (0, 0)),
        ],
        out_specs=pl.BlockSpec((TILE, 1), lambda i: (i, 0)),
        out_shape=jax.ShapeDtypeStruct((N_TOK, 1), jnp.int32),
    )(xb, sx2, se2, embedding)


@functools.lru_cache(maxsize=1)
def _make_sc_gather():
    info = plsc.get_sparse_core_info()
    nc, ns = info.num_cores, info.num_subcores
    nw = nc * ns
    bpw = N_TOK // nw
    mesh = plsc.VectorSubcoreMesh(core_axis_name="c", subcore_axis_name="s")

    @functools.partial(
        pl.kernel, mesh=mesh,
        out_type=[jax.ShapeDtypeStruct((N_TOK * DIM,), jnp.float32),
                  jax.ShapeDtypeStruct((nw * 16,), jnp.float32)],
        scratch_types=[
            pltpu.VMEM((bpw,), jnp.int32),
            pltpu.VMEM((bpw, 128), jnp.float32),
            pltpu.VMEM((bpw * DIM,), jnp.float32),
            pltpu.VMEM((bpw * DIM,), jnp.float32),
            pltpu.VMEM((16,), jnp.float32),
            pltpu.SemaphoreType.DMA,
        ],
    )
    def sc_gather(table_hbm, idx_hbm, x_hbm, qst_hbm, part_hbm,
                  idx_v, q_v, x_v, qst_v, acc_v, sem):
        wid = lax.axis_index("s") * nc + lax.axis_index("c")
        base = wid * bpw
        pltpu.sync_copy(idx_hbm.at[pl.ds(base, bpw)], idx_v)
        pltpu.async_copy(table_hbm.at[idx_v], q_v, sem).wait()
        pltpu.sync_copy(x_hbm.at[pl.ds(base * DIM, bpw * DIM)], x_v)

        def body(j, acc):
            for h in (0, 16):
                xv = x_v[pl.ds(j * DIM + h, 16)]
                qv = q_v[j, pl.ds(h, 16)]
                dv = qv - xv
                acc = acc + dv * dv
                qst_v[pl.ds(j * DIM + h, 16)] = xv + dv
            return acc

        acc = lax.fori_loop(0, bpw, body, jnp.zeros((16,), jnp.float32))
        acc_v[...] = acc
        pltpu.sync_copy(qst_v, qst_hbm.at[pl.ds(base * DIM, bpw * DIM)])
        pltpu.sync_copy(acc_v, part_hbm.at[pl.ds(wid * 16, 16)])

    return sc_gather


def kernel(inputs, embedding):
    flat = inputs.reshape(-1, DIM)
    sx2 = jnp.sum(flat ** 2, axis=1, keepdims=True)
    se2 = jnp.sum(embedding ** 2, axis=1)[None, :]
    xb = flat.astype(jnp.bfloat16)
    idx = _nearest_code_indices(xb, sx2, se2, embedding).reshape(-1)
    table_p = jnp.pad(embedding, ((0, 0), (0, 128 - DIM)))
    qst_flat, partials = _make_sc_gather()(table_p, idx, flat.reshape(-1))
    mse = jnp.sum(partials) / (N_TOK * DIM)
    loss = mse + COMMITMENT * mse
    return qst_flat.reshape(inputs.shape), loss, idx

# --- scband reference (transcript-rebuilt; emitter-appended) ---
"""Pipeline reference for scband-vector-quantizer-ema-58523224376026 (READ-ONLY COPY).

The authoritative reference and input builder live on the scoring server;
editing this copy changes nothing except your own understanding.
"""

import jax, jax.numpy as jnp
import numpy as np

NUM_EMBEDDINGS = 8192
EMBEDDING_DIM = 32
COMMITMENT_COST = 0.5


def setup_inputs(seed: int = 0) -> dict:
    key = jax.random.key(seed)
    k1, k2 = jax.random.split(key)
    inputs = jax.random.normal(k1, (16, 1024, 32), dtype=jnp.float32)
    embedding = jax.random.normal(k2, (NUM_EMBEDDINGS, EMBEDDING_DIM), dtype=jnp.float32) * 0.01
    return {"inputs": inputs, "embedding": embedding}


def reference(inputs, embedding):
    # Eval-mode forward of VectorQuantizerEMA (no EMA buffer updates, no usage loss).
    input_shape = inputs.shape
    flat_input = inputs.reshape(-1, EMBEDDING_DIM)
    # distances: ||x||^2 + ||e||^2 - 2 x e^T
    distances = (jnp.sum(flat_input ** 2, axis=1, keepdims=True)
                 + jnp.sum(embedding ** 2, axis=1)
                 - 2.0 * jnp.matmul(flat_input, embedding.T))
    encoding_indices = jnp.argmin(distances, axis=1)
    # one-hot @ embedding == gather (SparseCore-friendly)
    quantized = jnp.take(embedding, encoding_indices, axis=0).reshape(input_shape)
    e_latent_loss = jnp.mean((jax.lax.stop_gradient(quantized) - inputs) ** 2)
    q_latent_loss = jnp.mean((quantized - jax.lax.stop_gradient(inputs)) ** 2)
    loss = q_latent_loss + COMMITMENT_COST * e_latent_loss
    # straight-through estimator
    quantized_st = inputs + jax.lax.stop_gradient(quantized - inputs)
    return (quantized_st, loss, encoding_indices)

if __name__ == "__main__":
    import jax
    _d = setup_inputs()
    print(jax.jit(kernel)(*tuple(_d.values())))

</pallas_src>

<mosaic_0001>
#map = affine_map<(d0, d1) -> (0, 0)>
#map1 = affine_map<(d0, d1) -> (0)>
module attributes {stable_mosaic.version = 14 : i64} {
  func.func @sc_gather(%arg0: i32, %arg1: i32, %arg2: memref<8192x128xf32, #tpu.memory_space<hbm>>, %arg3: memref<16384xi32, #tpu.memory_space<hbm>>, %arg4: memref<524288xf32, #tpu.memory_space<hbm>>, %arg5: memref<524288xf32, #tpu.memory_space<hbm>>, %arg6: memref<512xf32, #tpu.memory_space<hbm>>, %arg7: memref<512xi32, #tpu.memory_space<vmem>>, %arg8: memref<512x128xf32, #tpu.memory_space<vmem>>, %arg9: memref<16384xf32, #tpu.memory_space<vmem>>, %arg10: memref<16384xf32, #tpu.memory_space<vmem>>, %arg11: memref<16xf32, #tpu.memory_space<vmem>>, %arg12: memref<!tpu.dma_semaphore, #tpu.memory_space<semaphore_mem>>) attributes {dimension_semantics = [#tpu.dimension_semantics<core_parallel>, #tpu.dimension_semantics<subcore_parallel>], iteration_bounds = array<i64: 2, 16>, scalar_prefetch = 0 : i64, scratch_operands = 6 : i64, tpu.core_type = #tpu.core_type<sc_vector_subcore>, window_params = [{transform_indices = #map}, {transform_indices = #map1}, {transform_indices = #map1}, {transform_indices = #map1}, {transform_indices = #map1}]} {
    %mul3A = arith.constant 2 : i32
    %mul3A_0 = arith.muli %arg1, %mul3A : i32
    %add3A = arith.addi %mul3A_0, %arg0 : i32
    %mul3A_1 = arith.constant 512 : i32
    %mul3A_2 = arith.muli %add3A, %mul3A_1 : i32
    "tpu.region"() ({
      %run_scoped3A = tpu.sem_alloc : memref<!tpu.dma_semaphore, #tpu.memory_space<semaphore_mem>>
      %dma_start3A_22 = tpu.memref_slice %arg3[%mul3A_2] : memref<16384xi32, #tpu.memory_space<hbm>> -> memref<512xi32, #tpu.memory_space<hbm>>
      %dma_start3A_23 = tpu.memref_slice %arg3[%mul3A_2] : memref<16384xi32, #tpu.memory_space<hbm>> -> memref<512xi32, #tpu.memory_space<hbm>>
      tpu.enqueue_dma source(%dma_start3A_23 : memref<512xi32, #tpu.memory_space<hbm>>) target(%arg7 : memref<512xi32, #tpu.memory_space<vmem>>) target_semaphore(%run_scoped3A : memref<!tpu.dma_semaphore, #tpu.memory_space<semaphore_mem>>)
      %dma_wait3A_24 = tpu.memref_slice %arg3[%mul3A_2] : memref<16384xi32, #tpu.memory_space<hbm>> -> memref<512xi32, #tpu.memory_space<hbm>>
      %dma_wait3A_25 = tpu.memref_slice %arg3[%mul3A_2] : memref<16384xi32, #tpu.memory_space<hbm>> -> memref<512xi32, #tpu.memory_space<hbm>>
      tpu.wait_dma2 semaphore(%run_scoped3A : memref<!tpu.dma_semaphore, #tpu.memory_space<semaphore_mem>>) src(%dma_wait3A_25 : memref<512xi32, #tpu.memory_space<hbm>>) dst(%arg7 : memref<512xi32, #tpu.memory_space<vmem>>)
      tpu.yield
    }) : () -> ()
    %dma_start3A = arith.constant 0 : i32
    %dma_start3A_3 = arith.constant 0 : i32
    %dma_start3A_4 = tpu.memref_slice %arg2[%dma_start3A, %dma_start3A_3] : memref<8192x128xf32, #tpu.memory_space<hbm>> -> memref<8192x128xf32, #tpu.memory_space<hbm>>
    tpu.enqueue_indirect_dma source(%dma_start3A_4 : memref<8192x128xf32, #tpu.memory_space<hbm>>) target(%arg8 : memref<512x128xf32, #tpu.memory_space<vmem>>) offsets(%arg7 : memref<512xi32, #tpu.memory_space<vmem>>) semaphore(%arg12 : memref<!tpu.dma_semaphore, #tpu.memory_space<semaphore_mem>>)
    %dma_wait3A = arith.constant 0 : i32
    %dma_wait3A_5 = arith.constant 0 : i32
    %dma_wait3A_6 = tpu.memref_slice %arg2[%dma_wait3A, %dma_wait3A_5] : memref<8192x128xf32, #tpu.memory_space<hbm>> -> memref<8192x128xf32, #tpu.memory_space<hbm>>
    tpu.wait_indirect_dma semaphore(%arg12 : memref<!tpu.dma_semaphore, #tpu.memory_space<semaphore_mem>>) src(%dma_wait3A_6 : memref<8192x128xf32, #tpu.memory_space<hbm>>) dst(%arg8 : memref<512x128xf32, #tpu.memory_space<vmem>>)
    %mul3A_7 = arith.constant 32 : i32
    %mul3A_8 = arith.muli %mul3A_2, %mul3A_7 : i32
    "tpu.region"() ({
      %run_scoped3A = tpu.sem_alloc : memref<!tpu.dma_semaphore, #tpu.memory_space<semaphore_mem>>
      %dma_start3A_22 = tpu.memref_slice %arg4[%mul3A_8] : memref<524288xf32, #tpu.memory_space<hbm>> -> memref<16384xf32, #tpu.memory_space<hbm>>
      %dma_start3A_23 = tpu.memref_slice %arg4[%mul3A_8] : memref<524288xf32, #tpu.memory_space<hbm>> -> memref<16384xf32, #tpu.memory_space<hbm>>
      tpu.enqueue_dma source(%dma_start3A_23 : memref<16384xf32, #tpu.memory_space<hbm>>) target(%arg9 : memref<16384xf32, #tpu.memory_space<vmem>>) target_semaphore(%run_scoped3A : memref<!tpu.dma_semaphore, #tpu.memory_space<semaphore_mem>>)
      %dma_wait3A_24 = tpu.memref_slice %arg4[%mul3A_8] : memref<524288xf32, #tpu.memory_space<hbm>> -> memref<16384xf32, #tpu.memory_space<hbm>>
      %dma_wait3A_25 = tpu.memref_slice %arg4[%mul3A_8] : memref<524288xf32, #tpu.memory_space<hbm>> -> memref<16384xf32, #tpu.memory_space<hbm>>
      tpu.wait_dma2 semaphore(%run_scoped3A : memref<!tpu.dma_semaphore, #tpu.memory_space<semaphore_mem>>) src(%dma_wait3A_25 : memref<16384xf32, #tpu.memory_space<hbm>>) dst(%arg9 : memref<16384xf32, #tpu.memory_space<vmem>>)
      tpu.yield
    }) : () -> ()
    %broadcast_in_dim3A = arith.constant 0.000000e+00 : f32
    %broadcast_in_dim3A_9 = vector.broadcast %broadcast_in_dim3A : f32 to vector<16xf32>
    %scan3A = arith.constant 0 : i32
    %scan3A_10 = arith.constant 512 : i32
    %scan3A_11 = arith.addi %scan3A, %scan3A_10 : i32
    %scan3A_12 = arith.constant 1 : i32
    %scan3A_13 = scf.for %scan3A_22 = %scan3A to %scan3A_11 step %scan3A_12 iter_args(%scan3A_23 = %broadcast_in_dim3A_9) -> (vector<16xf32>)  : i32 {
      %mul3A_24 = arith.constant 32 : i32
      %mul3A_25 = arith.muli %scan3A_22, %mul3A_24 : i32
      %add3A_26 = arith.constant 0 : i32
      %add3A_27 = arith.addi %mul3A_25, %add3A_26 : i32
      %get3A = arith.index_cast %add3A_27 : i32 to index
      %get3A_28 = tpu.vector_load %arg9[%get3A] {strides = array<i32>} : memref<16384xf32, #tpu.memory_space<vmem>>, vector<16xf32>,
      %get3A_29 = vector.shape_cast %get3A_28 : vector<16xf32> to vector<16xf32>
      %get3A_30 = arith.index_cast %scan3A_22 : i32 to index
      %get3A_31 = arith.constant 0 : index
      %get3A_32 = tpu.vector_load %arg8[%get3A_30, %get3A_31] {strides = array<i32>} : memref<512x128xf32, #tpu.memory_space<vmem>>, vector<1x16xf32>,
      %get3A_33 = vector.shape_cast %get3A_32 : vector<1x16xf32> to vector<16xf32>
      %sub3A = arith.subf %get3A_33, %get3A_29 : vector<16xf32>
      %mul3A_34 = arith.mulf %sub3A, %sub3A : vector<16xf32>
      %add3A_35 = arith.addf %scan3A_23, %mul3A_34 : vector<16xf32>
      %add3A_36 = arith.addf %get3A_29, %sub3A : vector<16xf32>
      %mul3A_37 = arith.constant 32 : i32
      %mul3A_38 = arith.muli %scan3A_22, %mul3A_37 : i32
      %add3A_39 = arith.constant 0 : i32
      %add3A_40 = arith.addi %mul3A_38, %add3A_39 : i32
      %swap3A_41 = arith.index_cast %add3A_40 : i32 to index
      %swap3A_42 = tpu.vector_load %arg10[%swap3A_41] {strides = array<i32>} : memref<16384xf32, #tpu.memory_space<vmem>>, vector<16xf32>,
      %swap3A_43 = vector.shape_cast %swap3A_42 : vector<16xf32> to vector<16xf32>
      %swap3A_44 = vector.shape_cast %add3A_36 : vector<16xf32> to vector<16xf32>
      tpu.vector_store %arg10[%swap3A_41], %swap3A_44 {strides = array<i32>} : memref<16384xf32, #tpu.memory_space<vmem>>, vector<16xf32>,
      %mul3A_45 = arith.constant 32 : i32
      %mul3A_46 = arith.muli %scan3A_22, %mul3A_45 : i32
      %add3A_47 = arith.constant 16 : i32
      %add3A_48 = arith.addi %mul3A_46, %add3A_47 : i32
      %get3A_49 = arith.index_cast %add3A_48 : i32 to index
      %get3A_50 = tpu.vector_load %arg9[%get3A_49] {strides = array<i32>} : memref<16384xf32, #tpu.memory_space<vmem>>, vector<16xf32>,
      %get3A_51 = vector.shape_cast %get3A_50 : vector<16xf32> to vector<16xf32>
      %get3A_52 = arith.index_cast %scan3A_22 : i32 to index
      %get3A_53 = arith.constant 16 : index
      %get3A_54 = tpu.vector_load %arg8[%get3A_52, %get3A_53] {strides = array<i32>} : memref<512x128xf32, #tpu.memory_space<vmem>>, vector<1x16xf32>,
      %get3A_55 = vector.shape_cast %get3A_54 : vector<1x16xf32> to vector<16xf32>
      %sub3A_56 = arith.subf %get3A_55, %get3A_51 : vector<16xf32>
      %mul3A_57 = arith.mulf %sub3A_56, %sub3A_56 : vector<16xf32>
      %add3A_58 = arith.addf %add3A_35, %mul3A_57 : vector<16xf32>
      %add3A_59 = arith.addf %get3A_51, %sub3A_56 : vector<16xf32>
      %mul3A_60 = arith.constant 32 : i32
      %mul3A_61 = arith.muli %scan3A_22, %mul3A_60 : i32
      %add3A_62 = arith.constant 16 : i32
      %add3A_63 = arith.addi %mul3A_61, %add3A_62 : i32
      %swap3A_64 = arith.index_cast %add3A_63 : i32 to index
      %swap3A_65 = tpu.vector_load %arg10[%swap3A_64] {strides = array<i32>} : memref<16384xf32, #tpu.memory_space<vmem>>, vector<16xf32>,
      %swap3A_66 = vector.shape_cast %swap3A_65 : vector<16xf32> to vector<16xf32>
      %swap3A_67 = vector.shape_cast %add3A_59 : vector<16xf32> to vector<16xf32>
      tpu.vector_store %arg10[%swap3A_64], %swap3A_67 {strides = array<i32>} : memref<16384xf32, #tpu.memory_space<vmem>>, vector<16xf32>,
      scf.yield %add3A_58 : vector<16xf32>
    }
    %scan3A_14 = arith.constant 512 : i32
    %swap3A = arith.constant 0 : index
    %swap3A_15 = tpu.vector_load %arg11[%swap3A] {strides = array<i32>} : memref<16xf32, #tpu.memory_space<vmem>>, vector<16xf32>,
    %swap3A_16 = vector.shape_cast %swap3A_15 : vector<16xf32> to vector<16xf32>
    %swap3A_17 = vector.shape_cast %scan3A_13 : vector<16xf32> to vector<16xf32>
    tpu.vector_store %arg11[%swap3A], %swap3A_17 {strides = array<i32>} : memref<16xf32, #tpu.memory_space<vmem>>, vector<16xf32>,
    %mul3A_18 = arith.constant 32 : i32
    %mul3A_19 = arith.muli %mul3A_2, %mul3A_18 : i32
    "tpu.region"() ({
      %run_scoped3A = tpu.sem_alloc : memref<!tpu.dma_semaphore, #tpu.memory_space<semaphore_mem>>
      %dma_start3A_22 = tpu.memref_slice %arg5[%mul3A_19] : memref<524288xf32, #tpu.memory_space<hbm>> -> memref<16384xf32, #tpu.memory_space<hbm>>
      %dma_start3A_23 = tpu.memref_slice %arg5[%mul3A_19] : memref<524288xf32, #tpu.memory_space<hbm>> -> memref<16384xf32, #tpu.memory_space<hbm>>
      tpu.enqueue_dma source(%arg10 : memref<16384xf32, #tpu.memory_space<vmem>>) target(%dma_start3A_23 : memref<16384xf32, #tpu.memory_space<hbm>>) target_semaphore(%run_scoped3A : memref<!tpu.dma_semaphore, #tpu.memory_space<semaphore_mem>>)
      %dma_wait3A_24 = tpu.memref_slice %arg5[%mul3A_19] : memref<524288xf32, #tpu.memory_space<hbm>> -> memref<16384xf32, #tpu.memory_space<hbm>>
      %dma_wait3A_25 = tpu.memref_slice %arg5[%mul3A_19] : memref<524288xf32, #tpu.memory_space<hbm>> -> memref<16384xf32, #tpu.memory_space<hbm>>
      tpu.wait_dma2 semaphore(%run_scoped3A : memref<!tpu.dma_semaphore, #tpu.memory_space<semaphore_mem>>) src(%arg10 : memref<16384xf32, #tpu.memory_space<vmem>>) dst(%dma_wait3A_25 : memref<16384xf32, #tpu.memory_space<hbm>>)
      tpu.yield
    }) : () -> ()
    %mul3A_20 = arith.constant 16 : i32
    %mul3A_21 = arith.muli %add3A, %mul3A_20 : i32
    "tpu.region"() ({
      %run_scoped3A = tpu.sem_alloc : memref<!tpu.dma_semaphore, #tpu.memory_space<semaphore_mem>>
      %dma_start3A_22 = tpu.memref_slice %arg6[%mul3A_21] : memref<512xf32, #tpu.memory_space<hbm>> -> memref<16xf32, #tpu.memory_space<hbm>>
      %dma_start3A_23 = tpu.memref_slice %arg6[%mul3A_21] : memref<512xf32, #tpu.memory_space<hbm>> -> memref<16xf32, #tpu.memory_space<hbm>>
      tpu.enqueue_dma source(%arg11 : memref<16xf32, #tpu.memory_space<vmem>>) target(%dma_start3A_23 : memref<16xf32, #tpu.memory_space<hbm>>) target_semaphore(%run_scoped3A : memref<!tpu.dma_semaphore, #tpu.memory_space<semaphore_mem>>)
      %dma_wait3A_24 = tpu.memref_slice %arg6[%mul3A_21] : memref<512xf32, #tpu.memory_space<hbm>> -> memref<16xf32, #tpu.memory_space<hbm>>
      %dma_wait3A_25 = tpu.memref_slice %arg6[%mul3A_21] : memref<512xf32, #tpu.memory_space<hbm>> -> memref<16xf32, #tpu.memory_space<hbm>>
      tpu.wait_dma2 semaphore(%run_scoped3A : memref<!tpu.dma_semaphore, #tpu.memory_space<semaphore_mem>>) src(%arg11 : memref<16xf32, #tpu.memory_space<vmem>>) dst(%dma_wait3A_25 : memref<16xf32, #tpu.memory_space<hbm>>)
      tpu.yield
    }) : () -> ()
    return
  }
}

module attributes {stable_mosaic.version = 14 : i64} {
  func.func @_argmin_body(%arg0: i32, %arg1: memref<256x32xbf16, #tpu.memory_space<vmem>>, %arg2: memref<256x1xf32, #tpu.memory_space<vmem>>, %arg3: memref<1x8192xf32, #tpu.memory_space<vmem>>, %arg4: memref<8192x32xf32, #tpu.memory_space<vmem>>, %arg5: memref<256x1xi32, #tpu.memory_space<vmem>>) attributes {dimension_semantics = [#tpu.dimension_semantics<arbitrary>], iteration_bounds = array<i64: 64>, scalar_prefetch = 0 : i64, scratch_operands = 0 : i64, tpu.core_type = #tpu.core_type<tc>, window_params = [{transform_indices = @transform_0, window_bounds = array<i64: 256, 32>}, {transform_indices = @transform_1, window_bounds = array<i64: 256, 1>}, {pipeline_mode = #tpu.pipeline_mode<synchronous>, transform_indices = @transform_2, window_bounds = array<i64: 1, 8192>}, {pipeline_mode = #tpu.pipeline_mode<synchronous>, transform_indices = @transform_3, window_bounds = array<i64: 8192, 32>}, {transform_indices = @transform_4, window_bounds = array<i64: 256, 1>}]} {
    %get3A = arith.constant 0 : index
    %get3A_0 = arith.constant 0 : index
    %get3A_1 = vector.load %arg1[%get3A, %get3A_0] : memref<256x32xbf16, #tpu.memory_space<vmem>>, vector<256x32xbf16>
    %convert_element_type3A = arith.extf %get3A_1 : vector<256x32xbf16> to vector<256x32xf32>
    %get3A_2 = arith.constant 0 : index
    %get3A_3 = arith.constant 0 : index
    %get3A_4 = vector.load %arg2[%get3A_2, %get3A_3] : memref<256x1xf32, #tpu.memory_space<vmem>>, vector<256x1xf32>
    %broadcast_in_dim3A = arith.constant 0x7F800000 : f32
    %broadcast_in_dim3A_5 = vector.broadcast %broadcast_in_dim3A : f32 to vector<256x1xf32>
    %broadcast_in_dim3A_6 = arith.constant 0 : i32
    %broadcast_in_dim3A_7 = vector.broadcast %broadcast_in_dim3A_6 : i32 to vector<256x1xi32>
    %iota3A = tpu.iota {dimensions = array<i32: 1>} : vector<256x4096xi32>
    %get3A_8 = arith.constant 0 : index
    %get3A_9 = arith.constant 0 : index
    %get3A_10 = vector.load %arg4[%get3A_8, %get3A_9] : memref<8192x32xf32, #tpu.memory_space<vmem>>, vector<4096x32xf32>
    %get3A_11 = arith.constant 0 : index
    %get3A_12 = arith.constant 0 : index
    %get3A_13 = vector.load %arg3[%get3A_11, %get3A_12] : memref<1x8192xf32, #tpu.memory_space<vmem>>, vector<1x4096xf32>
    %dot_general3A = arith.constant dense<0.000000e+00> : vector<256x4096xf32>
    %dot_general3A_14 = tpu.matmul %convert_element_type3A, %get3A_10, %dot_general3A {dimension_numbers = #tpu.dot_dimension_numbers<[1], [1], [0], [0], [0, 0, 1, 0], [], []>, transpose_lhs_hint = false} : vector<256x32xf32>, vector<4096x32xf32>, vector<256x4096xf32> -> vector<256x4096xf32>
    %add3A = vector.broadcast %get3A_4 : vector<256x1xf32> to vector<256x4096xf32>
    %add3A_15 = vector.broadcast %get3A_13 : vector<1x4096xf32> to vector<256x4096xf32>
    %add3A_16 = arith.addf %add3A, %add3A_15 : vector<256x4096xf32>
    %mul3A = arith.constant 2.000000e+00 : f32
    %mul3A_17 = vector.broadcast %mul3A : f32 to vector<256x4096xf32>
    %mul3A_18 = arith.mulf %mul3A_17, %dot_general3A_14 : vector<256x4096xf32>
    %sub3A = arith.subf %add3A_16, %mul3A_18 : vector<256x4096xf32>
    %reduce_min3A = arith.constant dense<0x7F800000> : vector<256xf32>
    %reduce_min3A_19 = vector.multi_reduction <minimumf>, %sub3A, %reduce_min3A [1] : vector<256x4096xf32> to vector<256xf32>
    %broadcast_in_dim3A_20 = vector.shape_cast %reduce_min3A_19 : vector<256xf32> to vector<256x1xf32>
    %eq3A = vector.broadcast %broadcast_in_dim3A_20 : vector<256x1xf32> to vector<256x4096xf32>
    %eq3A_21 = arith.cmpf oeq, %sub3A, %eq3A : vector<256x4096xf32>
    %jit3A = arith.constant 1073741824 : i32
    %broadcast_in_dim3A_22 = vector.broadcast %jit3A : i32 to vector<256x4096xi32>
    %select_n3A = arith.select %eq3A_21, %iota3A, %broadcast_in_dim3A_22 : vector<256x4096xi1>, vector<256x4096xi32>
    %reduce_min3A_23 = arith.constant dense<2147483647> : vector<256xi32>
    %reduce_min3A_24 = vector.multi_reduction <minsi>, %select_n3A, %reduce_min3A_23 [1] : vector<256x4096xi32> to vector<256xi32>
    %broadcast_in_dim3A_25 = vector.shape_cast %reduce_min3A_24 : vector<256xi32> to vector<256x1xi32>
    %add3A_26 = arith.constant 0 : i32
    %add3A_27 = vector.broadcast %add3A_26 : i32 to vector<256x1xi32>
    %add3A_28 = arith.addi %broadcast_in_dim3A_25, %add3A_27 : vector<256x1xi32>
    %lt3A = arith.cmpf olt, %broadcast_in_dim3A_20, %broadcast_in_dim3A_5 : vector<256x1xf32>
    %select_n3A_29 = arith.select %lt3A, %add3A_28, %broadcast_in_dim3A_7 : vector<256x1xi1>, vector<256x1xi32>
    %convert_element_type3A_30 = arith.truncf %broadcast_in_dim3A_20 : vector<256x1xf32> to vector<256x1xbf16>
    %convert_element_type3A_31 = arith.extf %convert_element_type3A_30 : vector<256x1xbf16> to vector<256x1xf32>
    %select_n3A_32 = arith.select %lt3A, %convert_element_type3A_31, %broadcast_in_dim3A_5 : vector<256x1xi1>, vector<256x1xf32>
    %get3A_33 = arith.constant 4096 : index
    %get3A_34 = arith.constant 0 : index
    %get3A_35 = vector.load %arg4[%get3A_33, %get3A_34] : memref<8192x32xf32, #tpu.memory_space<vmem>>, vector<4096x32xf32>
    %get3A_36 = arith.constant 0 : index
    %get3A_37 = arith.constant 4096 : index
    %get3A_38 = vector.load %arg3[%get3A_36, %get3A_37] : memref<1x8192xf32, #tpu.memory_space<vmem>>, vector<1x4096xf32>
    %dot_general3A_39 = arith.constant dense<0.000000e+00> : vector<256x4096xf32>
    %dot_general3A_40 = tpu.matmul %convert_element_type3A, %get3A_35, %dot_general3A_39 {dimension_numbers = #tpu.dot_dimension_numbers<[1], [1], [0], [0], [0, 0, 1, 0], [], []>, transpose_lhs_hint = false} : vector<256x32xf32>, vector<4096x32xf32>, vector<256x4096xf32> -> vector<256x4096xf32>
    %add3A_41 = vector.broadcast %get3A_4 : vector<256x1xf32> to vector<256x4096xf32>
    %add3A_42 = vector.broadcast %get3A_38 : vector<1x4096xf32> to vector<256x4096xf32>
    %add3A_43 = arith.addf %add3A_41, %add3A_42 : vector<256x4096xf32>
    %mul3A_44 = arith.constant 2.000000e+00 : f32
    %mul3A_45 = vector.broadcast %mul3A_44 : f32 to vector<256x4096xf32>
    %mul3A_46 = arith.mulf %mul3A_45, %dot_general3A_40 : vector<256x4096xf32>
    %sub3A_47 = arith.subf %add3A_43, %mul3A_46 : vector<256x4096xf32>
    %reduce_min3A_48 = arith.constant dense<0x7F800000> : vector<256xf32>
    %reduce_min3A_49 = vector.multi_reduction <minimumf>, %sub3A_47, %reduce_min3A_48 [1] : vector<256x4096xf32> to vector<256xf32>
    %broadcast_in_dim3A_50 = vector.shape_cast %reduce_min3A_49 : vector<256xf32> to vector<256x1xf32>
    %eq3A_51 = vector.broadcast %broadcast_in_dim3A_50 : vector<256x1xf32> to vector<256x4096xf32>
    %eq3A_52 = arith.cmpf oeq, %sub3A_47, %eq3A_51 : vector<256x4096xf32>
    %jit3A_53 = arith.constant 1073741824 : i32
    %broadcast_in_dim3A_54 = vector.broadcast %jit3A_53 : i32 to vector<256x4096xi32>
    %select_n3A_55 = arith.select %eq3A_52, %iota3A, %broadcast_in_dim3A_54 : vector<256x4096xi1>, vector<256x4096xi32>
    %reduce_min3A_56 = arith.constant dense<2147483647> : vector<256xi32>
    %reduce_min3A_57 = vector.multi_reduction <minsi>, %select_n3A_55, %reduce_min3A_56 [1] : vector<256x4096xi32> to vector<256xi32>
    %broadcast_in_dim3A_58 = vector.shape_cast %reduce_min3A_57 : vector<256xi32> to vector<256x1xi32>
    %add3A_59 = arith.constant 4096 : i32
    %add3A_60 = vector.broadcast %add3A_59 : i32 to vector<256x1xi32>
    %add3A_61 = arith.addi %broadcast_in_dim3A_58, %add3A_60 : vector<256x1xi32>
    %lt3A_62 = arith.cmpf olt, %broadcast_in_dim3A_50, %select_n3A_32 : vector<256x1xf32>
    %select_n3A_63 = arith.select %lt3A_62, %add3A_61, %select_n3A_29 : vector<256x1xi1>, vector<256x1xi32>
    %swap3A = arith.constant 0 : index
    %swap3A_64 = arith.constant 0 : index
    %swap3A_65 = vector.load %arg5[%swap3A, %swap3A_64] : memref<256x1xi32, #tpu.memory_space<vmem>>, vector<256x1xi32>
    tpu.vector_store %arg5[%swap3A, %swap3A_64], %select_n3A_63 {strides = array<i32>} : memref<256x1xi32, #tpu.memory_space<vmem>>, vector<256x1xi32>,
    return
  }
  func.func @transform_0(%arg0: i32) -> (i32, i32) {
    %c0_i32 = arith.constant 0 : i32
    %c0_i32_0 = arith.constant 0 : i32
    return %arg0, %c0_i32 : i32, i32
  }
  func.func @transform_1(%arg0: i32) -> (i32, i32) {
    %c0_i32 = arith.constant 0 : i32
    %c0_i32_0 = arith.constant 0 : i32
    return %arg0, %c0_i32 : i32, i32
  }
  func.func @transform_2(%arg0: i32) -> (i32, i32) {
    %c0_i32 = arith.constant 0 : i32
    %c0_i32_0 = arith.constant 0 : i32
    %c0_i32_1 = arith.constant 0 : i32
    return %c0_i32, %c0_i32_0 : i32, i32
  }
  func.func @transform_3(%arg0: i32) -> (i32, i32) {
    %c0_i32 = arith.constant 0 : i32
    %c0_i32_0 = arith.constant 0 : i32
    %c0_i32_1 = arith.constant 0 : i32
    return %c0_i32, %c0_i32_0 : i32, i32
  }
  func.func @transform_4(%arg0: i32) -> (i32, i32) {
    %c0_i32 = arith.constant 0 : i32
    %c0_i32_0 = arith.constant 0 : i32
    return %arg0, %c0_i32 : i32, i32
  }
}

</mosaic_0001>

<sc_bundles>
// kernel: kernel.4.cloned.1.call-start
scs
__scs_entry_jumppad:
0x0: {  	(pc) =	sbr.rel $0x88, $3  }
0x1: {  	(tag) =	ssettag $0x0;
	lr =	simm.s32 $0x1  }
0x2: {  	[smem:$0x3F9F] =	sst lr;
	_ =	strace $0xD0000000  }
0x3: {  	_ = 	snop  }
0x4: {  	_ = 	snop  }
0x5: {  	_ = 	snop  }
0x6: {  	_ = 	snop  }
0x7: {  	_ = 	snop  }
__scs_overlays_trampoline_lowered:
0x8: {  	[smem:$0x3FAE] =	sst s0  }
0x9: {  	[smem:$0x3FAF] =	sst s1  }
0xa: {  	[smem:$0x3FB0] =	sst s2  }
0xb: {  	[smem:$0x3FB1] =	sst s3  }
0xc: {  	[smem:$0x3FB2] =	sst s4  }
0xd: {  	[smem:$0x3FB3] =	sst s5  }
0xe: {  	[smem:$0x3FB4] =	sst s6  }
0xf: {  	[smem:$0x3FB5] =	sst s7  }
0x10: {  	[smem:$0x3FB6] =	sst s8  }
0x11: {  	[smem:$0x3FB7] =	sst s9;
	s0 =	simm.s32 @!p0 $0x0  }
0x12: {  	s1 =	sld [smem:$0x3F9D];
	s0 =	simm.s32 @p0 $0x1  }
0x13: {  	[smem:$0x3FB8] =	sst s0;
	s0 =	simm.s32 @!p1 $0x0  }
0x14: {  	s2 =	sld [smem:$0x3F9C];
	s0 =	simm.s32 @p1 $0x1  }
0x15: {  	[smem:$0x3FB9] =	sst s0;
	s0 =	simm.s32 @!p2 $0x0  }
0x16: {  	s3 =	sld [smem:$0x3FDB];
	s0 =	simm.s32 @p2 $0x1  }
0x17: {  	s4 =	simm.s32 $0x1BF5;
	[smem:$0x3FBB] =	sst s0  }
0x18: {  	s0 =	sld [smem:$0x3F9E];
	_ =	swait.ge [sflag:s4], $0x0  }
0x19: {  	s7 =	sld [smem:$0x3F9F]  }
0x1a: {  	s8 =	sadd.s32 $0xFFFFE003, lr  }
0x1b: {  	s9 =	sadd.s32 $0xFFFFFEF7, lr;
	s5 =	simm.s32 $0xFFFFFFFF;
	p2 =	slt.u32 s8, $0xFFFFF086  }
0x1c: {  	p1 =	slt.u32 s9, $0xF7A;
	s5 =	simm.s32 @!p2 $0x0  }
0x1d: {  	s5 =	simm.s32 @p1 $0x1;
	p0 =	seq.s32 s7, s2  }
0x1e: {  	s7 =	smul.u32 @!p0 $0xF7A, s2;
	p2 =	seq.s32 @!p0 s5, $0x0  }
0x1f: {  	s9 =	smul.u32 $0xF7A, s1;
	s8 =	simm.s32 @!p0 $0x1BF5;
	p2 =	por !p2, p0  }
0x20: {  	[sflag:s8] =	ssyncset.s32 @!p0 $0xFFFFF086;
	s6 =	sadd.s32 @!p0 s3, s7;
	s7 =	simm.s32 @!p0 $0x108  }
0x21: {  	s3 =	sadd.s32 s3, s9;
	s6 =	sadd.s32 @!p0 $0x88, s6;
	s7 =	simm.s32 @p2 $0x1082  }
0x22: {  	[simem:s7], [sflag:s8] =	dma.local @!p0 [hbm:s6], $0xF7A  }
0x23: {  	s9 =	sor.u32 $0xD0000000, s2;
	s6 =	simm.s32 $0x108;
	_ =	swait.ge @!p0 [sflag:s8], $0x0  }
0x24: {  	s3 =	sadd.s32 $0x88, s3;
	s6 =	simm.s32 @!p1 $0x1082;
	[sflag:s4] =	ssyncset.s32 $0xFFFFF086  }
0x25: {  	[simem:s6], [sflag:s4] =	dma.local [hbm:s3], $0xF7A  }
0x26: {  	[smem:$0x3F9F] =	sst s1;
	(tag) =	ssettag s2;
	_ =	strace s9  }
0x27: {  	s1 =	sld [smem:$0x3FAF]  }
0x28: {  	s2 =	sld [smem:$0x3FB0]  }
0x29: {  	s4 =	sld [smem:$0x3FB2]  }
0x2a: {  	p0 =	seq.s32 s5, $0x0;
	s5 =	sld [smem:$0x3FB3]  }
0x2b: {  	s6 =	sld [smem:$0x3FB4]  }
0x2c: {  	s7 =	sld [smem:$0x3FB5]  }
0x2d: {  	s3 =	simm.s32 $0x108;
	s8 =	sld [smem:$0x3FB6]  }
0x2e: {  	s3 =	simm.s32 @!p0 $0x1082;
	s9 =	sld [smem:$0x3FB7]  }
0x2f: {  	lr =	sadd.s32 s0, s3;
	s0 =	sld [smem:$0x3FAE]  }
0x30: {  	s3 =	sld [smem:$0x3FB1]  }
0x31: {  	[smem:$0x3FBA] =	sst s10  }
0x32: {  	s10 =	sld [smem:$0x3FB8];
	_ =	sdelay $0x3  }
0x33: {  	p0 =	seq.s32 s10, $0x1;
	s10 =	sld [smem:$0x3FBA];
	_ =	sdelay $0x3  }
0x34: {  	[smem:$0x3FBA] =	sst s10  }
0x35: {  	s10 =	sld [smem:$0x3FB9];
	_ =	sdelay $0x3  }
0x36: {  	p1 =	seq.s32 s10, $0x1;
	s10 =	sld [smem:$0x3FBA];
	_ =	sdelay $0x3  }
0x37: {  	[smem:$0x3FBA] =	sst s10  }
0x38: {  	s10 =	sld [smem:$0x3FBB]  }
0x39: {  	_ = 	snop;
	(pc) =	sbr.ind lr, $3  }
0x3a: {  	_ = 	snop  }
0x3b: {  	_ = 	snop  }
0x3c: {  	p2 =	seq.s32 s10, $0x1;
	s10 =	sld [smem:$0x3FBA]  }
0x3d: {  	_ =	shalt  }
0x3e: {  	_ =	shalt  }
0x3f: {  	_ =	shalt  }
0x40: {  	_ =	shalt  }
0x41: {  	_ =	shalt  }
0x42: {  	_ =	shalt  }
0x43: {  	_ =	shalt  }
0x44: {  	_ =	shalt  }
0x45: {  	_ =	shalt  }
0x46: {  	_ =	shalt  }
0x47: {  	_ =	shalt  }
0x48: {  	_ =	shalt  }
0x49: {  	_ =	shalt  }
0x4a: {  	_ =	shalt  }
0x4b: {  	_ =	shalt  }
0x4c: {  	_ =	shalt  }
0x4d: {  	_ =	shalt  }
0x4e: {  	_ =	shalt  }
0x4f: {  	_ =	shalt  }
0x50: {  	_ =	shalt  }
0x51: {  	_ =	shalt  }
0x52: {  	_ =	shalt  }
0x53: {  	_ =	shalt  }
0x54: {  	_ =	shalt  }
0x55: {  	_ =	shalt  }
0x56: {  	_ =	shalt  }
0x57: {  	_ =	shalt  }
0x58: {  	_ =	shalt  }
0x59: {  	_ =	shalt  }
0x5a: {  	_ =	shalt  }
0x5b: {  	_ =	shalt  }
0x5c: {  	_ =	shalt  }
0x5d: {  	_ =	shalt  }
0x5e: {  	_ =	shalt  }
0x5f: {  	_ =	shalt  }
0x60: {  	_ =	shalt  }
0x61: {  	_ =	shalt  }
0x62: {  	_ =	shalt  }
0x63: {  	_ =	shalt  }
0x64: {  	_ =	shalt  }
0x65: {  	_ =	shalt  }
0x66: {  	_ =	shalt  }
0x67: {  	_ =	shalt  }
0x68: {  	_ =	shalt  }
0x69: {  	_ =	shalt  }
0x6a: {  	_ =	shalt  }
0x6b: {  	_ =	shalt  }
0x6c: {  	_ =	shalt  }
0x6d: {  	_ =	shalt  }
0x6e: {  	_ =	shalt  }
0x6f: {  	_ =	shalt  }
0x70: {  	_ =	shalt  }
0x71: {  	_ =	shalt  }
0x72: {  	_ =	shalt  }
0x73: {  	_ =	shalt  }
0x74: {  	_ =	shalt  }
0x75: {  	_ =	shalt  }
0x76: {  	_ =	shalt  }
0x77: {  	_ =	shalt  }
0x78: {  	_ =	shalt  }
0x79: {  	_ =	shalt  }
0x7a: {  	_ =	shalt  }
0x7b: {  	_ =	shalt  }
0x7c: {  	_ =	shalt  }
0x7d: {  	_ =	shalt  }
0x7e: {  	_ =	shalt  }
0x7f: {  	_ =	shalt  }
0x80: {  	_ =	shalt  }
0x81: {  	_ =	shalt  }
0x82: {  	_ =	shalt  }
0x83: {  	_ =	shalt  }
0x84: {  	_ =	shalt  }
0x85: {  	_ =	shalt  }
0x86: {  	_ =	shalt  }
0x87: {  	_ =	shalt  }
.Lfunc_end0:
.L_simem_size_0:
called_computation_lowered:
.L_overlay_start_0:
0x88: {  	s2 =	sld [smem:$0x3FD9]  }
0x89: {  	s3 =	sld [smem:$0x3FFE];
	_ =	sdelay $0x1  }
0x8a: {  	s1 =	srdreg.scid  }
0x8b: {  	s0 =	sand.u32 $0x1, s1  }
0x8c: {  	s14 =	sshll.u32 s0, $0xA;
	s2 =	sadd.s32 s3, s2  }
0x8d: {  	s2 =	sadd.s32 s2, s14  }
0x8e: {  	[smem:$0x3FC6] =	sst s2  }
0x8f: {  	_ = 	snop  }
0x90: {  	s2 =	sld [smem:$0x3FD0];
	_ =	sdelay $0x2  }
0x91: {  	s15 =	simm.s32 $0xA;
	s4 =	simm.s32 $0x10  }
0x92: {  	[smem:s4], [sflag:s15] =	dma.local [hbm:s2], $0x1  }
0x93: {  	_ =	swait.eq [sflag:s15], $0x1  }
0x94: {  	[sflag:s15] =	ssyncset.done $0x0  }
0x95: {  	s16 =	sld [smem:$0x10];
	[sflag:s15] =	ssyncadd.s32 $0xFFFFFFFF  }
0x96: {  	s17 =	sld [smem:$0x12];
	(tm) =	ssettm $0x1  }
0x97: {  	s18 =	sld [smem:$0x3FFB];
	_ =	sdelay $0x3  }
0x98: {  	_ =	strace s18  }
0x99: {  	s4 =	sld [smem:$0x3FFC];
	_ =	sdelay $0x3  }
0x9a: {  	_ =	strace s4  }
0x9b: {  	s4 =	sld [smem:$0x3FFD];
	_ =	sdelay $0x3  }
0x9c: {  	_ =	strace s4  }
0x9d: {  	_ =	strace $0x8FFFFFFF  }
0x9e: {  	s19 =	sld [smem:$0x3FDB];
	_ =	sdelay $0x1  }
0x9f: {  	s5 =	simm.s32 $_scs_section_size  }
0xa0: {  	s6 =	simm.s32 $_size__tile_overlayer_lowered;
	s7 =	simm.s32 $_tile_overlayer_lowered  }
0xa1: {  	s22 =	simm.s32 $0x1BFF;
	s21 =	sshll.u32 s7, $0x1;
	s4 =	sadd.s32 s5, s19  }
0xa2: {  	s8 =	simm.s32 $0x0;
	s20 =	sshll.u32 s6, $0x1;
	s6 =	sadd.s32 s21, s4  }
0xa3: {  	[timem:s8], [sflag:s22] =	dma.local [hbm:s6], s20  }
0xa4: {  	_ =	swait.ge [sflag:s22], s20  }
0xa5: {  	s5 =	ssub.s32 $0x0, s20;
	[sflag:s22] =	ssyncset.done $0x0  }
0xa6: {  	[sflag:s22] =	ssyncadd.s32 s5;
	_ =	sdelay $0x1  }
0xa7: {  	s23 =	simm.s32 $0x1B8B  }
0xa8: {  	_ =	swait.ge [sflag:s23], $0x1  }
0xa9: {  	[sflag:s23] =	ssyncset.done $0x0  }
0xaa: {  	s25 =	simm.s32 $0x1B8E;
	s24 =	sld [smem:$0x3FFE];
	[sflag:s23] =	ssyncadd.s32 $0xFFFFFFFF  }
0xab: {  	s26 =	simm.s32 $execute0_lowered;
	[smem:$0x3FD2] =	sst s25  }
0xac: {  	s6 =	sshll.u32 s26, $0x1;
	_ =	strace $0x80000046;
	[dreg:$0x1] =	wrdreg $0xFFFFFFFF  }
0xad: {  	s28 =	simm.s32 $_size_execute0_lowered;
	s4 =	sadd.s32 s4, s6;
	[dreg:$0x0] =	wrdreg $0x0  }
0xae: {  	s6 =	sshll.u32 s28, $0x1;
	[dreg:$0x2] =	wrdreg s4  }
0xaf: {  	[dreg:$0x3] =	wrdreg s6  }
0xb0: {  	[dreg:$0x4] =	wrdreg $0xC0  }
0xb1: {  	_ =	task [dreg:s8], $0x5FFFF  }
0xb2: {  	[dreg:$0x1] =	wrdreg $0xFFFFFFFF  }
0xb3: {  	[dreg:$0x0] =	wrdreg $0x60  }
0xb4: {  	[dreg:$0x2] =	wrdreg s24  }
0xb5: {  	[dreg:$0x3] =	wrdreg s17  }
0xb6: {  	[dreg:$0x4] =	wrdreg s16  }
0xb7: {  	[dreg:$0x5] =	wrdreg $0x9  }
0xb8: {  	_ =	task.clear_ibuf [dreg:s8], $0x6FFFF;
	_ =	strace $0x90000046  }
0xb9: {  	s29 =	simm.s32 $0x9;
	_ =	strace $0x80000048  }
0xba: {  	_ =	swait.ge [sflag:s29], $0x1  }
0xbb: {  	[sflag:s29] =	ssyncadd.s32 $0xFFFFFFFF  }
0xbc: {  	_ =	strace $0x90000048  }
0xbd: {  	_ =	sfence  }
0xbe: {  	s30 =	sld [smem:$0x0];
	_ =	sdelay $0x2  }
0xbf: {  	s31 =	sshll.u32 s1, $0xD;
	s1 =	sshrl.u32 s1, $0x2  }
0xc0: {  	s3 =	sand.u32 $0x4000, s31;
	s1 =	sadd.s32 s1, s30  }
0xc1: {  	s0 =	sor.u32 s3, s0;
	s1 =	sshll.u32 s1, $0x11  }
0xc2: {  	s0 =	sor.u32 s1, s0  }
0xc3: {  	s0 =	sadd.s32 $0x8F2B, s0  }
0xc4: {  	[sflag:s0] =	ssyncadd.remote.s32 $0x1  }
0xc5: {  	_ =	sfence.sel $0xFFFF  }
0xc6: {  	[dreg:$0x0] =	wrdreg $0xFFFFFFFF;
	(pc) =	sbr.abs _section_cstart, $3  }
0xc7: {  	[dreg:$0x1] =	wrdreg $0xFFFFFFFF  }
0xc8: {  	_ =	task.clear_ibuf [dreg:s8], $0x2FFFF;
	_ =	strace $0x9FFFFFFF  }
0xc9: {  	(tm) =	ssettm $0x7FFFFFFF  }
tec
execute0_lowered:
.L_overlay_start_1:
0x0: {  	(tag) =	ssettag $0x1  }
0x1: {  	s6 =	rddreg [dreg:$0x0]  }
0x2: {  	s4 =	rddreg [dreg:$0x1]  }
0x3: {  	s5 =	rddreg [dreg:$0x2]  }
0x4: {  	s0 =	rddreg [dreg:$0x3];
	s3 =	srdreg.scid  }
0x5: {  	s1 =	stileid.u32;
	s2 =	simm.s32 $0x0;
	s11 =	simm.s32 $0x1  }
0x6: {  	s12 =	simm.s32 $0x10200;
	s13 =	simm.s32 $0x14200;
	s14 =	simm.s32 $0x18200  }
0x7: {  	s3 =	sand.u32 $0x1, s3;
	s7 =	sshll.u32 s1, $0x1;
	[smem:$0x7FF] =	sst s2  }
0x8: {  	s15 =	simm.s32 $0x0;
	s7 =	sor.u32 s3, s7;
	_ =	strace $0x80000047  }
0x9: {  	s9 =	ssub.s32 $0x2, s3;
	s3 =	sadd.s32 $0x40000, s6;
	s8 =	sshll.u32 s7, $0x1  }
0xa: {  	s10 =	sshrl.u32 s9, $0x1;
	s31 =	sshll.u32 s7, $0x6;
	s7 =	sshll.u32 s7, $0xB  }
0xb: {  	s8 =	sadd.s32 s8, s6;
	s9 =	ssub.s32 s9, s10;
	s4 =	sadd.s32 s4, s31  }
0xc: {  	s5 =	sadd.s32 s5, s7;
	s6 =	sadd.s32 s6, s7;
	s10 =	simm.s32 $0x200  }
0xd: {  	s7 =	sadd.s32 $0x10000, s8;
	s8 =	smax.u32 s9, $0x1;
	s9 =	simm.s32 $0x2  }
.LBB2_1:
0xe: {  	[tilespmem:s2], [sflag:$0x2] =	stream.linear.gather [hbm4b:s4+s2], $0x200, $0x38;
	[tilespmem:$0x18280] =	vst v63  }
0xf: {  	_ =	swait.ge [sflag:s9], $0x200  }
0x10: {  	[sflag:s9] =	ssyncset.done $0x0  }
0x11: {  	[sflag:s9] =	ssyncadd.s32 $0xFFFFFE00  }
0x12: {  	[tilespmem:s10], [sflag:$0x1] =	stream.indirect.gather [hbm4b:s3+s10], $0x80, s2, s10, $0xb8;
	[tilespmem:$0x18280] =	vst v63  }
0x13: {  	_ =	swait.ge [sflag:s11], $0x10000  }
0x14: {  	[sflag:s11] =	ssyncset.done $0x0  }
0x15: {  	[sflag:s11] =	ssyncadd.s32 $0xFFFF0000  }
0x16: {  	[tilespmem:s12], [sflag:$0x2] =	stream.linear.gather [hbm4b:s5+s2], $0x4000, $0x38;
	[tilespmem:$0x18280] =	vst v63  }
0x17: {  	_ =	swait.ge [sflag:s9], $0x4000  }
0x18: {  	[sflag:s9] =	ssyncset.done $0x0  }
0x19: {  	s16 =	simm.s32 $0x0;
	[sflag:s9] =	ssyncadd.s32 $0xFFFFC000  }
0x1a: {  	v0 =	vimm.f32 $0.0e+00;
	s17 =	simm.s32 $0x210;
	s18 =	simm.s32 $0x80;
	v1 =	vld [tilespmem:s16+$0x10200]  }
.LBB2_2:
0x1b: {  	p0 =	sne.s32 s18, $0xFF80;
	v2 =	vld [tilespmem:s17+$0xFFFFFFF0];
	_ =	sdelay $0x4  }
0x1c: {  	v2 =	vsub.f32 v2, v1;
	_ =	sdelay $0x1  }
0x1d: {  	v3 =	vmul.f32 v2, v2;
	v1 =	vadd.f32 v2, v1;
	_ =	sdelay $0x1  }
0x1e: {  	v0 =	vadd.f32 v3, v0;
	[tilespmem:s16+$0x14200] =	vst v1;
	v1 =	vld [tilespmem:s16+$0x10210]  }
0x1f: {  	v2 =	vld [tilespmem:s17+$0x0];
	_ =	sdelay $0x4  }
.Ltmp0:
0x20: {  	v2 =	vsub.f32 v2, v1;
	(pc) =	sbr.rel @p0 .LBB2_2-.Ltmp0, $4  }
0x21: {  	_ = 	snop  }
0x22: {  	v3 =	vmul.f32 v2, v2;
	v2 =	vadd.f32 v2, v1  }
0x23: {  	s19 =	sshra.s32 s18, $0x2  }
0x24: {  	s18 =	sadd.s32 $0x80, s18;
	s17 =	sadd.s32 $0x80, s17;
	v1 =	vld [tilespmem:s19+$0x10200];
	v0 =	vadd.f32 v3, v0;
	[tilespmem:s16+$0x14210] =	vst v2;
	s16 =	smov.u32 s19  }
0x25: {  	v2 =	vld [tilespmem:s17+$0xFFFFFFF0];
	_ =	sdelay $0x4  }
0x26: {  	v2 =	vsub.f32 v2, v1;
	_ =	sdelay $0x1  }
0x27: {  	v1 =	vadd.f32 v2, v1;
	_ =	sdelay $0x1  }
0x28: {  	v62 =	vld [tilespmem:s16+$0x10210];
	[tilespmem:s16+$0x14200] =	vst v1  }
0x29: {  	v3 =	vld [tilespmem:s17+$0x0];
	_ =	sdelay $0x4  }
0x2a: {  	v2 =	vmul.f32 v2, v2;
	v3 =	vsub.f32 v3, v62;
	_ =	sdelay $0x1  }
0x2b: {  	v0 =	vadd.f32 v2, v0;
	v63 =	vmul.f32 v3, v3  }
0x2c: {  	v1 =	vadd.f32 v3, v62  }
0x2d: {  	v0 =	vadd.f32 v63, v0  }
0x2e: {  	[tilespmem:s16+$0x14210] =	vst v1  }
0x2f: {  	[tilespmem:$0x18200] =	vst v0  }
0x30: {  	[hbm4b:s6+s2] =	stream.linear.scatter [tilespmem:s13], [sflag:$0x2], $0x4000, $0x38;
	[tilespmem:$0x18280] =	vst v63  }
0x31: {  	s15 =	sadd.s32 $0x1, s15;
	_ =	swait.ge [sflag:s9], $0x4000  }
0x32: {  	p0 =	sne.s32 s15, s8;
	[sflag:s9] =	ssyncset.done $0x0  }
.Ltmp1:
0x33: {  	[sflag:s9] =	ssyncadd.s32 $0xFFFFC000;
	(pc) =	sbr.rel @p0 .LBB2_1-.Ltmp1, $4  }
0x34: {  	[hbm4b:s7+s2] =	stream.linear.scatter [tilespmem:s14], [sflag:$0x2], $0x10, $0x38;
	[tilespmem:$0x18280] =	vst v63  }
0x35: {  	_ =	swait.ge [sflag:s9], $0x10  }
0x36: {  	[sflag:s9] =	ssyncset.done $0x0  }
0x37: {  	[sflag:s9] =	ssyncadd.s32 $0xFFFFFFF0  }
0x38: {  	_ =	sfence.sel $0x180000  }
0x39: {  	[bflag:$0x0] =	sbarrier.arrive $0xFFFF  }
0x3a: {  	p0 =	sne.s32 s1, $0x0;
	_ =	strace $0x90000047  }
0x3b: {  	s0 =	sadd.s32 @!p0 $0x100000, s0;
	[bflag:$0x2] =	sbarrier.arrive $0xFFFF  }
0x3c: {  	[sflag:s0] =	ssyncadd.tile.s32 @!p0 $0x1;
	_ =	shalt  }
.Lfunc_end2:
_tile_overlayer_lowered:
.L_overlay_start_2:
0x3d: {  	(tag) =	ssettag $0x2  }
0x3e: {  	s0 =	rddreg [dreg:$0x0];
	s2 =	stileid.u32  }
0x3f: {  	s1 =	rddreg [dreg:$0x1];
	p0 =	sne.s32 s2, $0x0  }
0x40: {  	s3 =	rddreg [dreg:$0x2];
	[bflag:$0x3] =	sbarrier.arrive $0xFFFF;
	s2 =	simm.s32 @!p0 $0x1C02  }
0x41: {  	[timem:s3], [sflag:s2] =	dma.local @!p0 [hbm:s0], s1  }
0x42: {  	s0 =	simm.s32 @!p0 $0x2  }
0x43: {  	_ =	swait.ge @!p0 [sflag:s0], s1  }
0x44: {  	s1 =	ssub.s32 @!p0 $0x0, s1;
	[sflag:s0] =	ssyncset.done @!p0 $0x0  }
0x45: {  	[sflag:s0] =	ssyncadd.s32 @!p0 s1  }
0x46: {  	[bflag:$0x3] =	sbarrier.arrive $0xFFFF  }
0x47: {  	_ =	shalt  }

</sc_bundles>
